<compile_context>
chip_gen: v7x
topology: tpu7x:2x2x1
jax: 0.10.2.dev20260603
libtpu: 0.0.44.dev20260713+nightly
codegen_flags: <defaults>
</compile_context>

<pallas_src>
import functools

import jax
import jax.numpy as jnp
from jax import lax
from jax.experimental import pallas as pl
from jax.experimental.pallas import tpu as pltpu
from jax.experimental.pallas import tpu_sc as plsc

DIM = 768
MAX_LEN = 8192
BATCH = 4
SEQ = 8192

NUM_CORES = 2
NUM_SUBCORES = 16
NUM_WORKERS = NUM_CORES * NUM_SUBCORES

B_TOTAL = BATCH * SEQ
B_PER_W = B_TOTAL // NUM_WORKERS
CHUNK = 32
N_CHUNKS = B_PER_W // CHUNK
NBUF = 4
N_GROUPS = N_CHUNKS // NBUF


def _sc_gather(table, idx_flat):
    mesh = plsc.VectorSubcoreMesh(core_axis_name="c", subcore_axis_name="s")

    @functools.partial(
        pl.kernel,
        mesh=mesh,
        out_type=jax.ShapeDtypeStruct((BATCH, SEQ, DIM), jnp.float32),
        scratch_types=[
            pltpu.VMEM((B_PER_W,), jnp.int32),
        ]
        + [pltpu.VMEM((CHUNK, DIM), jnp.float32)] * NBUF
        + [pltpu.SemaphoreType.DMA] * (2 * NBUF),
    )
    def k(table_hbm, idx_hbm, out_hbm, idx_v, *bufs):
        rows = list(bufs[:NBUF])
        gsem = list(bufs[NBUF : 2 * NBUF])
        ssem = list(bufs[2 * NBUF :])

        wid = lax.axis_index("c") * NUM_SUBCORES + lax.axis_index("s")
        w_per_b = SEQ // B_PER_W
        bi = wid // w_per_b
        col = (wid % w_per_b) * B_PER_W
        pltpu.sync_copy(idx_hbm.at[bi, pl.ds(col, B_PER_W)], idx_v)

        def gather_start(b, ci):
            return pltpu.async_copy(
                table_hbm.at[idx_v.at[pl.ds(ci * CHUNK, CHUNK)]], rows[b], gsem[b]
            )

        def gather_wait(b):
            pltpu.make_async_copy(
                table_hbm.at[idx_v.at[pl.ds(0, CHUNK)]], rows[b], gsem[b]
            ).wait()

        def store_start(b, ci):
            return pltpu.async_copy(
                rows[b], out_hbm.at[bi, pl.ds(col + ci * CHUNK, CHUNK)], ssem[b]
            )

        @pl.loop(0, N_GROUPS + 1)
        def _(j):
            for b in range(NBUF):

                @pl.when(j > 0)
                def _():
                    gather_wait(b)
                    store_start(b, (j - 1) * NBUF + b).wait()

                @pl.when(j < N_GROUPS)
                def _():
                    gather_start(b, j * NBUF + b)

    return k(table, idx_flat)


@jax.jit
def kernel(position_ids, table):
    return _sc_gather(table, position_ids)

# --- scband reference (transcript-rebuilt; emitter-appended) ---
"""Pipeline reference for scband-absolute-position-embedding-26628797235449 (READ-ONLY COPY).

The authoritative reference and input builder live on the scoring server;
editing this copy changes nothing except your own understanding.
"""

import jax, jax.numpy as jnp
import numpy as np

DIM = 768
MAX_LEN = 8192
BATCH = 4
SEQ = 8192

def setup_inputs(seed: int = 0) -> dict:
    key = jax.random.key(seed)
    k1, k2 = jax.random.split(key)
    position_ids = jax.random.randint(k1, (BATCH, SEQ), 0, MAX_LEN, dtype=jnp.int64 if jax.config.read('jax_enable_x64') else jnp.int32)
    table = jax.random.normal(k2, (MAX_LEN, DIM), dtype=jnp.float32)
    return {"position_ids": position_ids, "table": table}

def reference(position_ids, table):
    # nn.Embedding forward: gather rows of the embedding table
    return jnp.take(table, position_ids, axis=0)

if __name__ == "__main__":
    import jax
    _d = setup_inputs()
    print(jax.jit(kernel)(*tuple(_d.values())))

</pallas_src>

<mosaic_0001>
#map = affine_map<(d0, d1) -> (0, 0)>
#map1 = affine_map<(d0, d1) -> (0, 0, 0)>
module attributes {stable_mosaic.version = 14 : i64} {
  func.func @k(%arg0: i32, %arg1: i32, %arg2: memref<8192x768xf32, #tpu.memory_space<hbm>>, %arg3: memref<4x8192xi32, #tpu.memory_space<hbm>>, %arg4: memref<4x8192x768xf32, #tpu.memory_space<hbm>>, %arg5: memref<1024xi32, #tpu.memory_space<vmem>>, %arg6: memref<32x768xf32, #tpu.memory_space<vmem>>, %arg7: memref<32x768xf32, #tpu.memory_space<vmem>>, %arg8: memref<32x768xf32, #tpu.memory_space<vmem>>, %arg9: memref<32x768xf32, #tpu.memory_space<vmem>>, %arg10: memref<!tpu.dma_semaphore, #tpu.memory_space<semaphore_mem>>, %arg11: memref<!tpu.dma_semaphore, #tpu.memory_space<semaphore_mem>>, %arg12: memref<!tpu.dma_semaphore, #tpu.memory_space<semaphore_mem>>, %arg13: memref<!tpu.dma_semaphore, #tpu.memory_space<semaphore_mem>>, %arg14: memref<!tpu.dma_semaphore, #tpu.memory_space<semaphore_mem>>, %arg15: memref<!tpu.dma_semaphore, #tpu.memory_space<semaphore_mem>>, %arg16: memref<!tpu.dma_semaphore, #tpu.memory_space<semaphore_mem>>, %arg17: memref<!tpu.dma_semaphore, #tpu.memory_space<semaphore_mem>>) attributes {dimension_semantics = [#tpu.dimension_semantics<core_parallel>, #tpu.dimension_semantics<subcore_parallel>], iteration_bounds = array<i64: 2, 16>, scalar_prefetch = 0 : i64, scratch_operands = 13 : i64, tpu.core_type = #tpu.core_type<sc_vector_subcore>, window_params = [{transform_indices = #map}, {transform_indices = #map}, {transform_indices = #map1}]} {
    %mul3A = arith.constant 16 : i32
    %mul3A_0 = arith.muli %arg0, %mul3A : i32
    %add3A = arith.addi %mul3A_0, %arg1 : i32
    %jit3A = arith.constant 8 : i32
    %div3A = arith.divsi %add3A, %jit3A : i32
    %sign3A = arith.constant 0 : i32
    %sign3A_1 = arith.cmpi sgt, %add3A, %sign3A : i32
    %sign3A_2 = arith.extui %sign3A_1 : i1 to i32
    %sign3A_3 = arith.constant 0 : i32
    %sign3A_4 = arith.cmpi slt, %add3A, %sign3A_3 : i32
    %sign3A_5 = arith.extui %sign3A_4 : i1 to i32
    %sign3A_6 = arith.subi %sign3A_2, %sign3A_5 : i32
    %sign3A_7 = arith.constant 0 : i32
    %sign3A_8 = arith.cmpi sgt, %jit3A, %sign3A_7 : i32
    %sign3A_9 = arith.extui %sign3A_8 : i1 to i32
    %sign3A_10 = arith.constant 0 : i32
    %sign3A_11 = arith.cmpi slt, %jit3A, %sign3A_10 : i32
    %sign3A_12 = arith.extui %sign3A_11 : i1 to i32
    %sign3A_13 = arith.subi %sign3A_9, %sign3A_12 : i32
    %ne3A = arith.cmpi ne, %sign3A_6, %sign3A_13 : i32
    %rem3A = arith.remsi %add3A, %jit3A : i32
    %ne3A_14 = arith.constant 0 : i32
    %ne3A_15 = arith.cmpi ne, %rem3A, %ne3A_14 : i32
    %and3A = arith.andi %ne3A, %ne3A_15 : i1
    %sub3A = arith.constant 1 : i32
    %sub3A_16 = arith.subi %div3A, %sub3A : i32
    %select_n3A = arith.select %and3A, %sub3A_16, %div3A : i32
    %jit3A_17 = arith.constant 8 : i32
    %eq3A = arith.constant 0 : i32
    %eq3A_18 = arith.cmpi eq, %jit3A_17, %eq3A : i32
    %jit3A_19 = arith.constant 1 : i32
    %select_n3A_20 = arith.select %eq3A_18, %jit3A_19, %jit3A_17 : i32
    %rem3A_21 = arith.remsi %add3A, %select_n3A_20 : i32
    %ne3A_22 = arith.constant 0 : i32
    %ne3A_23 = arith.cmpi ne, %rem3A_21, %ne3A_22 : i32
    %lt3A = arith.constant 0 : i32
    %lt3A_24 = arith.cmpi slt, %rem3A_21, %lt3A : i32
    %lt3A_25 = arith.constant 0 : i32
    %lt3A_26 = arith.cmpi slt, %select_n3A_20, %lt3A_25 : i32
    %ne3A_27 = arith.xori %lt3A_24, %lt3A_26 : i1
    %and3A_28 = arith.andi %ne3A_27, %ne3A_23 : i1
    %add3A_29 = arith.addi %rem3A_21, %select_n3A_20 : i32
    %select_n3A_30 = arith.select %and3A_28, %add3A_29, %rem3A_21 : i32
    %mul3A_31 = arith.constant 1024 : i32
    %mul3A_32 = arith.muli %select_n3A_30, %mul3A_31 : i32
    "tpu.region"() ({
      %run_scoped3A = tpu.sem_alloc : memref<!tpu.dma_semaphore, #tpu.memory_space<semaphore_mem>>
      %dma_start3A = tpu.memref_slice %arg3[%select_n3A, %mul3A_32] : memref<4x8192xi32, #tpu.memory_space<hbm>> -> memref<1x1024xi32, #tpu.memory_space<hbm>>
      %dma_start3A_37 = tpu.memref_squeeze %dma_start3A : memref<1x1024xi32, #tpu.memory_space<hbm>> -> memref<1024xi32, #tpu.memory_space<hbm>>
      %dma_start3A_38 = tpu.memref_slice %arg3[%select_n3A, %mul3A_32] : memref<4x8192xi32, #tpu.memory_space<hbm>> -> memref<1x1024xi32, #tpu.memory_space<hbm>>
      %dma_start3A_39 = tpu.memref_squeeze %dma_start3A_38 : memref<1x1024xi32, #tpu.memory_space<hbm>> -> memref<1024xi32, #tpu.memory_space<hbm>>
      tpu.enqueue_dma source(%dma_start3A_39 : memref<1024xi32, #tpu.memory_space<hbm>>) target(%arg5 : memref<1024xi32, #tpu.memory_space<vmem>>) target_semaphore(%run_scoped3A : memref<!tpu.dma_semaphore, #tpu.memory_space<semaphore_mem>>)
      %dma_wait3A = tpu.memref_slice %arg3[%select_n3A, %mul3A_32] : memref<4x8192xi32, #tpu.memory_space<hbm>> -> memref<1x1024xi32, #tpu.memory_space<hbm>>
      %dma_wait3A_40 = tpu.memref_squeeze %dma_wait3A : memref<1x1024xi32, #tpu.memory_space<hbm>> -> memref<1024xi32, #tpu.memory_space<hbm>>
      %dma_wait3A_41 = tpu.memref_slice %arg3[%select_n3A, %mul3A_32] : memref<4x8192xi32, #tpu.memory_space<hbm>> -> memref<1x1024xi32, #tpu.memory_space<hbm>>
      %dma_wait3A_42 = tpu.memref_squeeze %dma_wait3A_41 : memref<1x1024xi32, #tpu.memory_space<hbm>> -> memref<1024xi32, #tpu.memory_space<hbm>>
      tpu.wait_dma2 semaphore(%run_scoped3A : memref<!tpu.dma_semaphore, #tpu.memory_space<semaphore_mem>>) src(%dma_wait3A_42 : memref<1024xi32, #tpu.memory_space<hbm>>) dst(%arg5 : memref<1024xi32, #tpu.memory_space<vmem>>)
      tpu.yield
    }) : () -> ()
    %scan3A = arith.constant 0 : i32
    %scan3A_33 = arith.constant 9 : i32
    %scan3A_34 = arith.addi %scan3A, %scan3A_33 : i32
    %scan3A_35 = arith.constant 1 : i32
    scf.for %scan3A_37 = %scan3A to %scan3A_34 step %scan3A_35  : i32 {
      %mul3A_38 = arith.constant 1 : i32
      %mul3A_39 = arith.muli %scan3A_37, %mul3A_38 : i32
      %add3A_40 = arith.constant 0 : i32
      %add3A_41 = arith.addi %add3A_40, %mul3A_39 : i32
      %gt3A = arith.constant 0 : i32
      %gt3A_42 = arith.cmpi sgt, %add3A_41, %gt3A : i32
      %convert_element_type3A = arith.extui %gt3A_42 : i1 to i32
      %cond3A = arith.constant 0 : i32
      %cond3A_43 = arith.cmpi ne, %convert_element_type3A, %cond3A : i32
      scf.if %cond3A_43 {
        %dma_wait3A = arith.constant 0 : i32
        %dma_wait3A_79 = tpu.memref_slice %arg5[%dma_wait3A] : memref<1024xi32, #tpu.memory_space<vmem>> -> memref<32xi32, #tpu.memory_space<vmem>>
        %dma_wait3A_80 = arith.constant 0 : i32
        %dma_wait3A_81 = arith.constant 0 : i32
        %dma_wait3A_82 = tpu.memref_slice %arg2[%dma_wait3A_80, %dma_wait3A_81] : memref<8192x768xf32, #tpu.memory_space<hbm>> -> memref<8192x768xf32, #tpu.memory_space<hbm>>
        tpu.wait_indirect_dma semaphore(%arg10 : memref<!tpu.dma_semaphore, #tpu.memory_space<semaphore_mem>>) src(%dma_wait3A_82 : memref<8192x768xf32, #tpu.memory_space<hbm>>) dst(%arg6 : memref<32x768xf32, #tpu.memory_space<vmem>>)
        %sub3A_83 = arith.constant 1 : i32
        %sub3A_84 = arith.subi %add3A_41, %sub3A_83 : i32
        %mul3A_85 = arith.constant 4 : i32
        %mul3A_86 = arith.muli %sub3A_84, %mul3A_85 : i32
        %add3A_87 = arith.constant 0 : i32
        %add3A_88 = arith.addi %mul3A_86, %add3A_87 : i32
        %mul3A_89 = arith.constant 32 : i32
        %mul3A_90 = arith.muli %add3A_88, %mul3A_89 : i32
        %add3A_91 = arith.addi %mul3A_32, %mul3A_90 : i32
        %dma_start3A = arith.constant 0 : i32
        %dma_start3A_92 = tpu.memref_slice %arg4[%select_n3A, %add3A_91, %dma_start3A] : memref<4x8192x768xf32, #tpu.memory_space<hbm>> -> memref<1x32x768xf32, #tpu.memory_space<hbm>>
        %dma_start3A_93 = tpu.memref_squeeze %dma_start3A_92 : memref<1x32x768xf32, #tpu.memory_space<hbm>> -> memref<32x768xf32, #tpu.memory_space<hbm>>
        %dma_start3A_94 = arith.constant 0 : i32
        %dma_start3A_95 = tpu.memref_slice %arg4[%select_n3A, %add3A_91, %dma_start3A_94] : memref<4x8192x768xf32, #tpu.memory_space<hbm>> -> memref<1x32x768xf32, #tpu.memory_space<hbm>>
        %dma_start3A_96 = tpu.memref_squeeze %dma_start3A_95 : memref<1x32x768xf32, #tpu.memory_space<hbm>> -> memref<32x768xf32, #tpu.memory_space<hbm>>
        tpu.enqueue_dma source(%arg6 : memref<32x768xf32, #tpu.memory_space<vmem>>) target(%dma_start3A_96 : memref<32x768xf32, #tpu.memory_space<hbm>>) target_semaphore(%arg14 : memref<!tpu.dma_semaphore, #tpu.memory_space<semaphore_mem>>)
        %dma_wait3A_97 = arith.constant 0 : i32
        %dma_wait3A_98 = tpu.memref_slice %arg4[%select_n3A, %add3A_91, %dma_wait3A_97] : memref<4x8192x768xf32, #tpu.memory_space<hbm>> -> memref<1x32x768xf32, #tpu.memory_space<hbm>>
        %dma_wait3A_99 = tpu.memref_squeeze %dma_wait3A_98 : memref<1x32x768xf32, #tpu.memory_space<hbm>> -> memref<32x768xf32, #tpu.memory_space<hbm>>
        %dma_wait3A_100 = arith.constant 0 : i32
        %dma_wait3A_101 = tpu.memref_slice %arg4[%select_n3A, %add3A_91, %dma_wait3A_100] : memref<4x8192x768xf32, #tpu.memory_space<hbm>> -> memref<1x32x768xf32, #tpu.memory_space<hbm>>
        %dma_wait3A_102 = tpu.memref_squeeze %dma_wait3A_101 : memref<1x32x768xf32, #tpu.memory_space<hbm>> -> memref<32x768xf32, #tpu.memory_space<hbm>>
        tpu.wait_dma2 semaphore(%arg14 : memref<!tpu.dma_semaphore, #tpu.memory_space<semaphore_mem>>) src(%arg6 : memref<32x768xf32, #tpu.memory_space<vmem>>) dst(%dma_wait3A_102 : memref<32x768xf32, #tpu.memory_space<hbm>>)
      } else {
      }
      %lt3A_44 = arith.constant 8 : i32
      %lt3A_45 = arith.cmpi slt, %add3A_41, %lt3A_44 : i32
      %convert_element_type3A_46 = arith.extui %lt3A_45 : i1 to i32
      %cond3A_47 = arith.constant 0 : i32
      %cond3A_48 = arith.cmpi ne, %convert_element_type3A_46, %cond3A_47 : i32
      scf.if %cond3A_48 {
        %mul3A_79 = arith.constant 4 : i32
        %mul3A_80 = arith.muli %add3A_41, %mul3A_79 : i32
        %add3A_81 = arith.constant 0 : i32
        %add3A_82 = arith.addi %mul3A_80, %add3A_81 : i32
        %mul3A_83 = arith.constant 32 : i32
        %mul3A_84 = arith.muli %add3A_82, %mul3A_83 : i32
        %dma_start3A = tpu.memref_slice %arg5[%mul3A_84] : memref<1024xi32, #tpu.memory_space<vmem>> -> memref<32xi32, #tpu.memory_space<vmem>>
        %dma_start3A_85 = arith.constant 0 : i32
        %dma_start3A_86 = arith.constant 0 : i32
        %dma_start3A_87 = tpu.memref_slice %arg2[%dma_start3A_85, %dma_start3A_86] : memref<8192x768xf32, #tpu.memory_space<hbm>> -> memref<8192x768xf32, #tpu.memory_space<hbm>>
        tpu.enqueue_indirect_dma source(%dma_start3A_87 : memref<8192x768xf32, #tpu.memory_space<hbm>>) target(%arg6 : memref<32x768xf32, #tpu.memory_space<vmem>>) offsets(%dma_start3A : memref<32xi32, #tpu.memory_space<vmem>>) semaphore(%arg10 : memref<!tpu.dma_semaphore, #tpu.memory_space<semaphore_mem>>)
      } else {
      }
      %gt3A_49 = arith.constant 0 : i32
      %gt3A_50 = arith.cmpi sgt, %add3A_41, %gt3A_49 : i32
      %convert_element_type3A_51 = arith.extui %gt3A_50 : i1 to i32
      %cond3A_52 = arith.constant 0 : i32
      %cond3A_53 = arith.cmpi ne, %convert_element_type3A_51, %cond3A_52 : i32
      scf.if %cond3A_53 {
        %dma_wait3A = arith.constant 0 : i32
        %dma_wait3A_79 = tpu.memref_slice %arg5[%dma_wait3A] : memref<1024xi32, #tpu.memory_space<vmem>> -> memref<32xi32, #tpu.memory_space<vmem>>
        %dma_wait3A_80 = arith.constant 0 : i32
        %dma_wait3A_81 = arith.constant 0 : i32
        %dma_wait3A_82 = tpu.memref_slice %arg2[%dma_wait3A_80, %dma_wait3A_81] : memref<8192x768xf32, #tpu.memory_space<hbm>> -> memref<8192x768xf32, #tpu.memory_space<hbm>>
        tpu.wait_indirect_dma semaphore(%arg11 : memref<!tpu.dma_semaphore, #tpu.memory_space<semaphore_mem>>) src(%dma_wait3A_82 : memref<8192x768xf32, #tpu.memory_space<hbm>>) dst(%arg7 : memref<32x768xf32, #tpu.memory_space<vmem>>)
        %sub3A_83 = arith.constant 1 : i32
        %sub3A_84 = arith.subi %add3A_41, %sub3A_83 : i32
        %mul3A_85 = arith.constant 4 : i32
        %mul3A_86 = arith.muli %sub3A_84, %mul3A_85 : i32
        %add3A_87 = arith.constant 1 : i32
        %add3A_88 = arith.addi %mul3A_86, %add3A_87 : i32
        %mul3A_89 = arith.constant 32 : i32
        %mul3A_90 = arith.muli %add3A_88, %mul3A_89 : i32
        %add3A_91 = arith.addi %mul3A_32, %mul3A_90 : i32
        %dma_start3A = arith.constant 0 : i32
        %dma_start3A_92 = tpu.memref_slice %arg4[%select_n3A, %add3A_91, %dma_start3A] : memref<4x8192x768xf32, #tpu.memory_space<hbm>> -> memref<1x32x768xf32, #tpu.memory_space<hbm>>
        %dma_start3A_93 = tpu.memref_squeeze %dma_start3A_92 : memref<1x32x768xf32, #tpu.memory_space<hbm>> -> memref<32x768xf32, #tpu.memory_space<hbm>>
        %dma_start3A_94 = arith.constant 0 : i32
        %dma_start3A_95 = tpu.memref_slice %arg4[%select_n3A, %add3A_91, %dma_start3A_94] : memref<4x8192x768xf32, #tpu.memory_space<hbm>> -> memref<1x32x768xf32, #tpu.memory_space<hbm>>
        %dma_start3A_96 = tpu.memref_squeeze %dma_start3A_95 : memref<1x32x768xf32, #tpu.memory_space<hbm>> -> memref<32x768xf32, #tpu.memory_space<hbm>>
        tpu.enqueue_dma source(%arg7 : memref<32x768xf32, #tpu.memory_space<vmem>>) target(%dma_start3A_96 : memref<32x768xf32, #tpu.memory_space<hbm>>) target_semaphore(%arg15 : memref<!tpu.dma_semaphore, #tpu.memory_space<semaphore_mem>>)
        %dma_wait3A_97 = arith.constant 0 : i32
        %dma_wait3A_98 = tpu.memref_slice %arg4[%select_n3A, %add3A_91, %dma_wait3A_97] : memref<4x8192x768xf32, #tpu.memory_space<hbm>> -> memref<1x32x768xf32, #tpu.memory_space<hbm>>
        %dma_wait3A_99 = tpu.memref_squeeze %dma_wait3A_98 : memref<1x32x768xf32, #tpu.memory_space<hbm>> -> memref<32x768xf32, #tpu.memory_space<hbm>>
        %dma_wait3A_100 = arith.constant 0 : i32
        %dma_wait3A_101 = tpu.memref_slice %arg4[%select_n3A, %add3A_91, %dma_wait3A_100] : memref<4x8192x768xf32, #tpu.memory_space<hbm>> -> memref<1x32x768xf32, #tpu.memory_space<hbm>>
        %dma_wait3A_102 = tpu.memref_squeeze %dma_wait3A_101 : memref<1x32x768xf32, #tpu.memory_space<hbm>> -> memref<32x768xf32, #tpu.memory_space<hbm>>
        tpu.wait_dma2 semaphore(%arg15 : memref<!tpu.dma_semaphore, #tpu.memory_space<semaphore_mem>>) src(%arg7 : memref<32x768xf32, #tpu.memory_space<vmem>>) dst(%dma_wait3A_102 : memref<32x768xf32, #tpu.memory_space<hbm>>)
      } else {
      }
      %lt3A_54 = arith.constant 8 : i32
      %lt3A_55 = arith.cmpi slt, %add3A_41, %lt3A_54 : i32
      %convert_element_type3A_56 = arith.extui %lt3A_55 : i1 to i32
      %cond3A_57 = arith.constant 0 : i32
      %cond3A_58 = arith.cmpi ne, %convert_element_type3A_56, %cond3A_57 : i32
      scf.if %cond3A_58 {
        %mul3A_79 = arith.constant 4 : i32
        %mul3A_80 = arith.muli %add3A_41, %mul3A_79 : i32
        %add3A_81 = arith.constant 1 : i32
        %add3A_82 = arith.addi %mul3A_80, %add3A_81 : i32
        %mul3A_83 = arith.constant 32 : i32
        %mul3A_84 = arith.muli %add3A_82, %mul3A_83 : i32
        %dma_start3A = tpu.memref_slice %arg5[%mul3A_84] : memref<1024xi32, #tpu.memory_space<vmem>> -> memref<32xi32, #tpu.memory_space<vmem>>
        %dma_start3A_85 = arith.constant 0 : i32
        %dma_start3A_86 = arith.constant 0 : i32
        %dma_start3A_87 = tpu.memref_slice %arg2[%dma_start3A_85, %dma_start3A_86] : memref<8192x768xf32, #tpu.memory_space<hbm>> -> memref<8192x768xf32, #tpu.memory_space<hbm>>
        tpu.enqueue_indirect_dma source(%dma_start3A_87 : memref<8192x768xf32, #tpu.memory_space<hbm>>) target(%arg7 : memref<32x768xf32, #tpu.memory_space<vmem>>) offsets(%dma_start3A : memref<32xi32, #tpu.memory_space<vmem>>) semaphore(%arg11 : memref<!tpu.dma_semaphore, #tpu.memory_space<semaphore_mem>>)
      } else {
      }
      %gt3A_59 = arith.constant 0 : i32
      %gt3A_60 = arith.cmpi sgt, %add3A_41, %gt3A_59 : i32
      %convert_element_type3A_61 = arith.extui %gt3A_60 : i1 to i32
      %cond3A_62 = arith.constant 0 : i32
      %cond3A_63 = arith.cmpi ne, %convert_element_type3A_61, %cond3A_62 : i32
      scf.if %cond3A_63 {
        %dma_wait3A = arith.constant 0 : i32
        %dma_wait3A_79 = tpu.memref_slice %arg5[%dma_wait3A] : memref<1024xi32, #tpu.memory_space<vmem>> -> memref<32xi32, #tpu.memory_space<vmem>>
        %dma_wait3A_80 = arith.constant 0 : i32
        %dma_wait3A_81 = arith.constant 0 : i32
        %dma_wait3A_82 = tpu.memref_slice %arg2[%dma_wait3A_80, %dma_wait3A_81] : memref<8192x768xf32, #tpu.memory_space<hbm>> -> memref<8192x768xf32, #tpu.memory_space<hbm>>
        tpu.wait_indirect_dma semaphore(%arg12 : memref<!tpu.dma_semaphore, #tpu.memory_space<semaphore_mem>>) src(%dma_wait3A_82 : memref<8192x768xf32, #tpu.memory_space<hbm>>) dst(%arg8 : memref<32x768xf32, #tpu.memory_space<vmem>>)
        %sub3A_83 = arith.constant 1 : i32
        %sub3A_84 = arith.subi %add3A_41, %sub3A_83 : i32
        %mul3A_85 = arith.constant 4 : i32
        %mul3A_86 = arith.muli %sub3A_84, %mul3A_85 : i32
        %add3A_87 = arith.constant 2 : i32
        %add3A_88 = arith.addi %mul3A_86, %add3A_87 : i32
        %mul3A_89 = arith.constant 32 : i32
        %mul3A_90 = arith.muli %add3A_88, %mul3A_89 : i32
        %add3A_91 = arith.addi %mul3A_32, %mul3A_90 : i32
        %dma_start3A = arith.constant 0 : i32
        %dma_start3A_92 = tpu.memref_slice %arg4[%select_n3A, %add3A_91, %dma_start3A] : memref<4x8192x768xf32, #tpu.memory_space<hbm>> -> memref<1x32x768xf32, #tpu.memory_space<hbm>>
        %dma_start3A_93 = tpu.memref_squeeze %dma_start3A_92 : memref<1x32x768xf32, #tpu.memory_space<hbm>> -> memref<32x768xf32, #tpu.memory_space<hbm>>
        %dma_start3A_94 = arith.constant 0 : i32
        %dma_start3A_95 = tpu.memref_slice %arg4[%select_n3A, %add3A_91, %dma_start3A_94] : memref<4x8192x768xf32, #tpu.memory_space<hbm>> -> memref<1x32x768xf32, #tpu.memory_space<hbm>>
        %dma_start3A_96 = tpu.memref_squeeze %dma_start3A_95 : memref<1x32x768xf32, #tpu.memory_space<hbm>> -> memref<32x768xf32, #tpu.memory_space<hbm>>
        tpu.enqueue_dma source(%arg8 : memref<32x768xf32, #tpu.memory_space<vmem>>) target(%dma_start3A_96 : memref<32x768xf32, #tpu.memory_space<hbm>>) target_semaphore(%arg16 : memref<!tpu.dma_semaphore, #tpu.memory_space<semaphore_mem>>)
        %dma_wait3A_97 = arith.constant 0 : i32
        %dma_wait3A_98 = tpu.memref_slice %arg4[%select_n3A, %add3A_91, %dma_wait3A_97] : memref<4x8192x768xf32, #tpu.memory_space<hbm>> -> memref<1x32x768xf32, #tpu.memory_space<hbm>>
        %dma_wait3A_99 = tpu.memref_squeeze %dma_wait3A_98 : memref<1x32x768xf32, #tpu.memory_space<hbm>> -> memref<32x768xf32, #tpu.memory_space<hbm>>
        %dma_wait3A_100 = arith.constant 0 : i32
        %dma_wait3A_101 = tpu.memref_slice %arg4[%select_n3A, %add3A_91, %dma_wait3A_100] : memref<4x8192x768xf32, #tpu.memory_space<hbm>> -> memref<1x32x768xf32, #tpu.memory_space<hbm>>
        %dma_wait3A_102 = tpu.memref_squeeze %dma_wait3A_101 : memref<1x32x768xf32, #tpu.memory_space<hbm>> -> memref<32x768xf32, #tpu.memory_space<hbm>>
        tpu.wait_dma2 semaphore(%arg16 : memref<!tpu.dma_semaphore, #tpu.memory_space<semaphore_mem>>) src(%arg8 : memref<32x768xf32, #tpu.memory_space<vmem>>) dst(%dma_wait3A_102 : memref<32x768xf32, #tpu.memory_space<hbm>>)
      } else {
      }
      %lt3A_64 = arith.constant 8 : i32
      %lt3A_65 = arith.cmpi slt, %add3A_41, %lt3A_64 : i32
      %convert_element_type3A_66 = arith.extui %lt3A_65 : i1 to i32
      %cond3A_67 = arith.constant 0 : i32
      %cond3A_68 = arith.cmpi ne, %convert_element_type3A_66, %cond3A_67 : i32
      scf.if %cond3A_68 {
        %mul3A_79 = arith.constant 4 : i32
        %mul3A_80 = arith.muli %add3A_41, %mul3A_79 : i32
        %add3A_81 = arith.constant 2 : i32
        %add3A_82 = arith.addi %mul3A_80, %add3A_81 : i32
        %mul3A_83 = arith.constant 32 : i32
        %mul3A_84 = arith.muli %add3A_82, %mul3A_83 : i32
        %dma_start3A = tpu.memref_slice %arg5[%mul3A_84] : memref<1024xi32, #tpu.memory_space<vmem>> -> memref<32xi32, #tpu.memory_space<vmem>>
        %dma_start3A_85 = arith.constant 0 : i32
        %dma_start3A_86 = arith.constant 0 : i32
        %dma_start3A_87 = tpu.memref_slice %arg2[%dma_start3A_85, %dma_start3A_86] : memref<8192x768xf32, #tpu.memory_space<hbm>> -> memref<8192x768xf32, #tpu.memory_space<hbm>>
        tpu.enqueue_indirect_dma source(%dma_start3A_87 : memref<8192x768xf32, #tpu.memory_space<hbm>>) target(%arg8 : memref<32x768xf32, #tpu.memory_space<vmem>>) offsets(%dma_start3A : memref<32xi32, #tpu.memory_space<vmem>>) semaphore(%arg12 : memref<!tpu.dma_semaphore, #tpu.memory_space<semaphore_mem>>)
      } else {
      }
      %gt3A_69 = arith.constant 0 : i32
      %gt3A_70 = arith.cmpi sgt, %add3A_41, %gt3A_69 : i32
      %convert_element_type3A_71 = arith.extui %gt3A_70 : i1 to i32
      %cond3A_72 = arith.constant 0 : i32
      %cond3A_73 = arith.cmpi ne, %convert_element_type3A_71, %cond3A_72 : i32
      scf.if %cond3A_73 {
        %dma_wait3A = arith.constant 0 : i32
        %dma_wait3A_79 = tpu.memref_slice %arg5[%dma_wait3A] : memref<1024xi32, #tpu.memory_space<vmem>> -> memref<32xi32, #tpu.memory_space<vmem>>
        %dma_wait3A_80 = arith.constant 0 : i32
        %dma_wait3A_81 = arith.constant 0 : i32
        %dma_wait3A_82 = tpu.memref_slice %arg2[%dma_wait3A_80, %dma_wait3A_81] : memref<8192x768xf32, #tpu.memory_space<hbm>> -> memref<8192x768xf32, #tpu.memory_space<hbm>>
        tpu.wait_indirect_dma semaphore(%arg13 : memref<!tpu.dma_semaphore, #tpu.memory_space<semaphore_mem>>) src(%dma_wait3A_82 : memref<8192x768xf32, #tpu.memory_space<hbm>>) dst(%arg9 : memref<32x768xf32, #tpu.memory_space<vmem>>)
        %sub3A_83 = arith.constant 1 : i32
        %sub3A_84 = arith.subi %add3A_41, %sub3A_83 : i32
        %mul3A_85 = arith.constant 4 : i32
        %mul3A_86 = arith.muli %sub3A_84, %mul3A_85 : i32
        %add3A_87 = arith.constant 3 : i32
        %add3A_88 = arith.addi %mul3A_86, %add3A_87 : i32
        %mul3A_89 = arith.constant 32 : i32
        %mul3A_90 = arith.muli %add3A_88, %mul3A_89 : i32
        %add3A_91 = arith.addi %mul3A_32, %mul3A_90 : i32
        %dma_start3A = arith.constant 0 : i32
        %dma_start3A_92 = tpu.memref_slice %arg4[%select_n3A, %add3A_91, %dma_start3A] : memref<4x8192x768xf32, #tpu.memory_space<hbm>> -> memref<1x32x768xf32, #tpu.memory_space<hbm>>
        %dma_start3A_93 = tpu.memref_squeeze %dma_start3A_92 : memref<1x32x768xf32, #tpu.memory_space<hbm>> -> memref<32x768xf32, #tpu.memory_space<hbm>>
        %dma_start3A_94 = arith.constant 0 : i32
        %dma_start3A_95 = tpu.memref_slice %arg4[%select_n3A, %add3A_91, %dma_start3A_94] : memref<4x8192x768xf32, #tpu.memory_space<hbm>> -> memref<1x32x768xf32, #tpu.memory_space<hbm>>
        %dma_start3A_96 = tpu.memref_squeeze %dma_start3A_95 : memref<1x32x768xf32, #tpu.memory_space<hbm>> -> memref<32x768xf32, #tpu.memory_space<hbm>>
        tpu.enqueue_dma source(%arg9 : memref<32x768xf32, #tpu.memory_space<vmem>>) target(%dma_start3A_96 : memref<32x768xf32, #tpu.memory_space<hbm>>) target_semaphore(%arg17 : memref<!tpu.dma_semaphore, #tpu.memory_space<semaphore_mem>>)
        %dma_wait3A_97 = arith.constant 0 : i32
        %dma_wait3A_98 = tpu.memref_slice %arg4[%select_n3A, %add3A_91, %dma_wait3A_97] : memref<4x8192x768xf32, #tpu.memory_space<hbm>> -> memref<1x32x768xf32, #tpu.memory_space<hbm>>
        %dma_wait3A_99 = tpu.memref_squeeze %dma_wait3A_98 : memref<1x32x768xf32, #tpu.memory_space<hbm>> -> memref<32x768xf32, #tpu.memory_space<hbm>>
        %dma_wait3A_100 = arith.constant 0 : i32
        %dma_wait3A_101 = tpu.memref_slice %arg4[%select_n3A, %add3A_91, %dma_wait3A_100] : memref<4x8192x768xf32, #tpu.memory_space<hbm>> -> memref<1x32x768xf32, #tpu.memory_space<hbm>>
        %dma_wait3A_102 = tpu.memref_squeeze %dma_wait3A_101 : memref<1x32x768xf32, #tpu.memory_space<hbm>> -> memref<32x768xf32, #tpu.memory_space<hbm>>
        tpu.wait_dma2 semaphore(%arg17 : memref<!tpu.dma_semaphore, #tpu.memory_space<semaphore_mem>>) src(%arg9 : memref<32x768xf32, #tpu.memory_space<vmem>>) dst(%dma_wait3A_102 : memref<32x768xf32, #tpu.memory_space<hbm>>)
      } else {
      }
      %lt3A_74 = arith.constant 8 : i32
      %lt3A_75 = arith.cmpi slt, %add3A_41, %lt3A_74 : i32
      %convert_element_type3A_76 = arith.extui %lt3A_75 : i1 to i32
      %cond3A_77 = arith.constant 0 : i32
      %cond3A_78 = arith.cmpi ne, %convert_element_type3A_76, %cond3A_77 : i32
      scf.if %cond3A_78 {
        %mul3A_79 = arith.constant 4 : i32
        %mul3A_80 = arith.muli %add3A_41, %mul3A_79 : i32
        %add3A_81 = arith.constant 3 : i32
        %add3A_82 = arith.addi %mul3A_80, %add3A_81 : i32
        %mul3A_83 = arith.constant 32 : i32
        %mul3A_84 = arith.muli %add3A_82, %mul3A_83 : i32
        %dma_start3A = tpu.memref_slice %arg5[%mul3A_84] : memref<1024xi32, #tpu.memory_space<vmem>> -> memref<32xi32, #tpu.memory_space<vmem>>
        %dma_start3A_85 = arith.constant 0 : i32
        %dma_start3A_86 = arith.constant 0 : i32
        %dma_start3A_87 = tpu.memref_slice %arg2[%dma_start3A_85, %dma_start3A_86] : memref<8192x768xf32, #tpu.memory_space<hbm>> -> memref<8192x768xf32, #tpu.memory_space<hbm>>
        tpu.enqueue_indirect_dma source(%dma_start3A_87 : memref<8192x768xf32, #tpu.memory_space<hbm>>) target(%arg9 : memref<32x768xf32, #tpu.memory_space<vmem>>) offsets(%dma_start3A : memref<32xi32, #tpu.memory_space<vmem>>) semaphore(%arg13 : memref<!tpu.dma_semaphore, #tpu.memory_space<semaphore_mem>>)
      } else {
      }
    }
    %scan3A_36 = arith.constant 9 : i32
    return
  }
}

</mosaic_0001>

<sc_bundles>
// kernel: kernel.3.cloned.1.call-start
scs
__scs_entry_jumppad:
0x0: {  	(pc) =	sbr.rel $0x88, $3  }
0x1: {  	(tag) =	ssettag $0x0;
	lr =	simm.s32 $0x1  }
0x2: {  	[smem:$0x3F9F] =	sst lr;
	_ =	strace $0xD0000000  }
0x3: {  	_ = 	snop  }
0x4: {  	_ = 	snop  }
0x5: {  	_ = 	snop  }
0x6: {  	_ = 	snop  }
0x7: {  	_ = 	snop  }
__scs_overlays_trampoline_lowered:
0x8: {  	[smem:$0x3FAE] =	sst s0  }
0x9: {  	[smem:$0x3FAF] =	sst s1  }
0xa: {  	[smem:$0x3FB0] =	sst s2  }
0xb: {  	[smem:$0x3FB1] =	sst s3  }
0xc: {  	[smem:$0x3FB2] =	sst s4  }
0xd: {  	[smem:$0x3FB3] =	sst s5  }
0xe: {  	[smem:$0x3FB4] =	sst s6  }
0xf: {  	[smem:$0x3FB5] =	sst s7  }
0x10: {  	[smem:$0x3FB6] =	sst s8  }
0x11: {  	[smem:$0x3FB7] =	sst s9;
	s0 =	simm.s32 @!p0 $0x0  }
0x12: {  	s1 =	sld [smem:$0x3F9D];
	s0 =	simm.s32 @p0 $0x1  }
0x13: {  	[smem:$0x3FB8] =	sst s0;
	s0 =	simm.s32 @!p1 $0x0  }
0x14: {  	s2 =	sld [smem:$0x3F9C];
	s0 =	simm.s32 @p1 $0x1  }
0x15: {  	[smem:$0x3FB9] =	sst s0;
	s0 =	simm.s32 @!p2 $0x0  }
0x16: {  	s3 =	sld [smem:$0x3FDB];
	s0 =	simm.s32 @p2 $0x1  }
0x17: {  	s4 =	simm.s32 $0x1BF5;
	[smem:$0x3FBB] =	sst s0  }
0x18: {  	s0 =	sld [smem:$0x3F9E];
	_ =	swait.ge [sflag:s4], $0x0  }
0x19: {  	s7 =	sld [smem:$0x3F9F]  }
0x1a: {  	s8 =	sadd.s32 $0xFFFFE003, lr  }
0x1b: {  	s9 =	sadd.s32 $0xFFFFFEF7, lr;
	s5 =	simm.s32 $0xFFFFFFFF;
	p2 =	slt.u32 s8, $0xFFFFF086  }
0x1c: {  	p1 =	slt.u32 s9, $0xF7A;
	s5 =	simm.s32 @!p2 $0x0  }
0x1d: {  	s5 =	simm.s32 @p1 $0x1;
	p0 =	seq.s32 s7, s2  }
0x1e: {  	s7 =	smul.u32 @!p0 $0xF7A, s2;
	p2 =	seq.s32 @!p0 s5, $0x0  }
0x1f: {  	s9 =	smul.u32 $0xF7A, s1;
	s8 =	simm.s32 @!p0 $0x1BF5;
	p2 =	por !p2, p0  }
0x20: {  	[sflag:s8] =	ssyncset.s32 @!p0 $0xFFFFF086;
	s6 =	sadd.s32 @!p0 s3, s7;
	s7 =	simm.s32 @!p0 $0x108  }
0x21: {  	s3 =	sadd.s32 s3, s9;
	s6 =	sadd.s32 @!p0 $0x88, s6;
	s7 =	simm.s32 @p2 $0x1082  }
0x22: {  	[simem:s7], [sflag:s8] =	dma.local @!p0 [hbm:s6], $0xF7A  }
0x23: {  	s9 =	sor.u32 $0xD0000000, s2;
	s6 =	simm.s32 $0x108;
	_ =	swait.ge @!p0 [sflag:s8], $0x0  }
0x24: {  	s3 =	sadd.s32 $0x88, s3;
	s6 =	simm.s32 @!p1 $0x1082;
	[sflag:s4] =	ssyncset.s32 $0xFFFFF086  }
0x25: {  	[simem:s6], [sflag:s4] =	dma.local [hbm:s3], $0xF7A  }
0x26: {  	[smem:$0x3F9F] =	sst s1;
	(tag) =	ssettag s2;
	_ =	strace s9  }
0x27: {  	s1 =	sld [smem:$0x3FAF]  }
0x28: {  	s2 =	sld [smem:$0x3FB0]  }
0x29: {  	s4 =	sld [smem:$0x3FB2]  }
0x2a: {  	p0 =	seq.s32 s5, $0x0;
	s5 =	sld [smem:$0x3FB3]  }
0x2b: {  	s6 =	sld [smem:$0x3FB4]  }
0x2c: {  	s7 =	sld [smem:$0x3FB5]  }
0x2d: {  	s3 =	simm.s32 $0x108;
	s8 =	sld [smem:$0x3FB6]  }
0x2e: {  	s3 =	simm.s32 @!p0 $0x1082;
	s9 =	sld [smem:$0x3FB7]  }
0x2f: {  	lr =	sadd.s32 s0, s3;
	s0 =	sld [smem:$0x3FAE]  }
0x30: {  	s3 =	sld [smem:$0x3FB1]  }
0x31: {  	[smem:$0x3FBA] =	sst s10  }
0x32: {  	s10 =	sld [smem:$0x3FB8];
	_ =	sdelay $0x3  }
0x33: {  	p0 =	seq.s32 s10, $0x1;
	s10 =	sld [smem:$0x3FBA];
	_ =	sdelay $0x3  }
0x34: {  	[smem:$0x3FBA] =	sst s10  }
0x35: {  	s10 =	sld [smem:$0x3FB9];
	_ =	sdelay $0x3  }
0x36: {  	p1 =	seq.s32 s10, $0x1;
	s10 =	sld [smem:$0x3FBA];
	_ =	sdelay $0x3  }
0x37: {  	[smem:$0x3FBA] =	sst s10  }
0x38: {  	s10 =	sld [smem:$0x3FBB]  }
0x39: {  	_ = 	snop;
	(pc) =	sbr.ind lr, $3  }
0x3a: {  	_ = 	snop  }
0x3b: {  	_ = 	snop  }
0x3c: {  	p2 =	seq.s32 s10, $0x1;
	s10 =	sld [smem:$0x3FBA]  }
0x3d: {  	_ =	shalt  }
0x3e: {  	_ =	shalt  }
0x3f: {  	_ =	shalt  }
0x40: {  	_ =	shalt  }
0x41: {  	_ =	shalt  }
0x42: {  	_ =	shalt  }
0x43: {  	_ =	shalt  }
0x44: {  	_ =	shalt  }
0x45: {  	_ =	shalt  }
0x46: {  	_ =	shalt  }
0x47: {  	_ =	shalt  }
0x48: {  	_ =	shalt  }
0x49: {  	_ =	shalt  }
0x4a: {  	_ =	shalt  }
0x4b: {  	_ =	shalt  }
0x4c: {  	_ =	shalt  }
0x4d: {  	_ =	shalt  }
0x4e: {  	_ =	shalt  }
0x4f: {  	_ =	shalt  }
0x50: {  	_ =	shalt  }
0x51: {  	_ =	shalt  }
0x52: {  	_ =	shalt  }
0x53: {  	_ =	shalt  }
0x54: {  	_ =	shalt  }
0x55: {  	_ =	shalt  }
0x56: {  	_ =	shalt  }
0x57: {  	_ =	shalt  }
0x58: {  	_ =	shalt  }
0x59: {  	_ =	shalt  }
0x5a: {  	_ =	shalt  }
0x5b: {  	_ =	shalt  }
0x5c: {  	_ =	shalt  }
0x5d: {  	_ =	shalt  }
0x5e: {  	_ =	shalt  }
0x5f: {  	_ =	shalt  }
0x60: {  	_ =	shalt  }
0x61: {  	_ =	shalt  }
0x62: {  	_ =	shalt  }
0x63: {  	_ =	shalt  }
0x64: {  	_ =	shalt  }
0x65: {  	_ =	shalt  }
0x66: {  	_ =	shalt  }
0x67: {  	_ =	shalt  }
0x68: {  	_ =	shalt  }
0x69: {  	_ =	shalt  }
0x6a: {  	_ =	shalt  }
0x6b: {  	_ =	shalt  }
0x6c: {  	_ =	shalt  }
0x6d: {  	_ =	shalt  }
0x6e: {  	_ =	shalt  }
0x6f: {  	_ =	shalt  }
0x70: {  	_ =	shalt  }
0x71: {  	_ =	shalt  }
0x72: {  	_ =	shalt  }
0x73: {  	_ =	shalt  }
0x74: {  	_ =	shalt  }
0x75: {  	_ =	shalt  }
0x76: {  	_ =	shalt  }
0x77: {  	_ =	shalt  }
0x78: {  	_ =	shalt  }
0x79: {  	_ =	shalt  }
0x7a: {  	_ =	shalt  }
0x7b: {  	_ =	shalt  }
0x7c: {  	_ =	shalt  }
0x7d: {  	_ =	shalt  }
0x7e: {  	_ =	shalt  }
0x7f: {  	_ =	shalt  }
0x80: {  	_ =	shalt  }
0x81: {  	_ =	shalt  }
0x82: {  	_ =	shalt  }
0x83: {  	_ =	shalt  }
0x84: {  	_ =	shalt  }
0x85: {  	_ =	shalt  }
0x86: {  	_ =	shalt  }
0x87: {  	_ =	shalt  }
.Lfunc_end0:
.L_simem_size_0:
called_computation_lowered:
.L_overlay_start_0:
0x88: {  	s2 =	sld [smem:$0x3FD9]  }
0x89: {  	s3 =	sld [smem:$0x3FFE];
	_ =	sdelay $0x1  }
0x8a: {  	s1 =	srdreg.scid  }
0x8b: {  	s0 =	sand.u32 $0x1, s1  }
0x8c: {  	s18 =	sshll.u32 s0, $0xA;
	s2 =	sadd.s32 s3, s2  }
0x8d: {  	s2 =	sadd.s32 s2, s18  }
0x8e: {  	[smem:$0x3FC6] =	sst s2  }
0x8f: {  	_ = 	snop  }
0x90: {  	s2 =	sld [smem:$0x3FC9]  }
0x91: {  	s19 =	sld [smem:$0x3FC8]  }
0x92: {  	s4 =	sld [smem:$0x3FD0];
	(tm) =	ssettm $0x1  }
0x93: {  	s5 =	sld [smem:$0x3FFB];
	_ =	sdelay $0x3  }
0x94: {  	_ =	strace s5  }
0x95: {  	s5 =	sld [smem:$0x3FFC];
	_ =	sdelay $0x3  }
0x96: {  	_ =	strace s5  }
0x97: {  	s5 =	sld [smem:$0x3FFD];
	_ =	sdelay $0x3  }
0x98: {  	_ =	strace s5  }
0x99: {  	_ =	strace $0x8FFFFFFF  }
0x9a: {  	s20 =	sld [smem:$0x3FDB];
	_ =	sdelay $0x1  }
0x9b: {  	s6 =	simm.s32 $_scs_section_size  }
0x9c: {  	s7 =	simm.s32 $_size__tile_overlayer_lowered;
	s8 =	simm.s32 $_tile_overlayer_lowered  }
0x9d: {  	s23 =	simm.s32 $0x1BFF;
	s22 =	sshll.u32 s8, $0x1;
	s5 =	sadd.s32 s6, s20  }
0x9e: {  	s9 =	simm.s32 $0x0;
	s21 =	sshll.u32 s7, $0x1;
	s7 =	sadd.s32 s22, s5  }
0x9f: {  	[timem:s9], [sflag:s23] =	dma.local [hbm:s7], s21  }
0xa0: {  	_ =	swait.ge [sflag:s23], s21  }
0xa1: {  	s6 =	ssub.s32 $0x0, s21;
	[sflag:s23] =	ssyncset.done $0x0  }
0xa2: {  	[sflag:s23] =	ssyncadd.s32 s6;
	_ =	sdelay $0x1  }
0xa3: {  	s24 =	simm.s32 $0x1B8B  }
0xa4: {  	_ =	swait.ge [sflag:s24], $0x1  }
0xa5: {  	[sflag:s24] =	ssyncset.done $0x0  }
0xa6: {  	s25 =	simm.s32 $0x1B8E;
	[sflag:s24] =	ssyncadd.s32 $0xFFFFFFFF  }
0xa7: {  	s26 =	simm.s32 $execute0_lowered;
	[smem:$0x3FD2] =	sst s25  }
0xa8: {  	s6 =	sshll.u32 s26, $0x1;
	_ =	strace $0x80000046;
	[dreg:$0x1] =	wrdreg $0xFFFFFFFF  }
0xa9: {  	s28 =	simm.s32 $_size_execute0_lowered;
	s5 =	sadd.s32 s5, s6;
	[dreg:$0x0] =	wrdreg $0x0  }
0xaa: {  	s6 =	sshll.u32 s28, $0x1;
	[dreg:$0x2] =	wrdreg s5  }
0xab: {  	[dreg:$0x3] =	wrdreg s6  }
0xac: {  	[dreg:$0x4] =	wrdreg $0xC0  }
0xad: {  	_ =	task [dreg:s9], $0x5FFFF  }
0xae: {  	[dreg:$0x1] =	wrdreg $0xFFFFFFFF  }
0xaf: {  	[dreg:$0x0] =	wrdreg $0x60  }
0xb0: {  	[dreg:$0x2] =	wrdreg s19  }
0xb1: {  	[dreg:$0x3] =	wrdreg s2  }
0xb2: {  	[dreg:$0x4] =	wrdreg s4  }
0xb3: {  	[dreg:$0x5] =	wrdreg $0x9  }
0xb4: {  	_ =	task.clear_ibuf [dreg:s9], $0x6FFFF;
	_ =	strace $0x90000046  }
0xb5: {  	s29 =	simm.s32 $0x9;
	_ =	strace $0x80000048  }
0xb6: {  	_ =	swait.ge [sflag:s29], $0x1  }
0xb7: {  	[sflag:s29] =	ssyncadd.s32 $0xFFFFFFFF  }
0xb8: {  	_ =	strace $0x90000048  }
0xb9: {  	_ =	sfence  }
0xba: {  	s30 =	sld [smem:$0x0];
	_ =	sdelay $0x2  }
0xbb: {  	s31 =	sshll.u32 s1, $0xD;
	s1 =	sshrl.u32 s1, $0x2  }
0xbc: {  	s3 =	sand.u32 $0x4000, s31;
	s1 =	sadd.s32 s1, s30  }
0xbd: {  	s0 =	sor.u32 s3, s0;
	s1 =	sshll.u32 s1, $0x11  }
0xbe: {  	s0 =	sor.u32 s1, s0  }
0xbf: {  	s0 =	sadd.s32 $0x8F2B, s0  }
0xc0: {  	[sflag:s0] =	ssyncadd.remote.s32 $0x1  }
0xc1: {  	_ =	sfence.sel $0xFFFF  }
0xc2: {  	[dreg:$0x0] =	wrdreg $0xFFFFFFFF;
	(pc) =	sbr.abs _section_cstart, $3  }
0xc3: {  	[dreg:$0x1] =	wrdreg $0xFFFFFFFF  }
0xc4: {  	_ =	task.clear_ibuf [dreg:s9], $0x2FFFF;
	_ =	strace $0x9FFFFFFF  }
0xc5: {  	(tm) =	ssettm $0x7FFFFFFF  }
tec
execute0_lowered:
.L_overlay_start_1:
0x0: {  	(tag) =	ssettag $0x1  }
0x1: {  	s0 =	srdreg.scid  }
0x2: {  	s3 =	stileid.u32;
	s4 =	simm.s32 $0x1;
	s6 =	rddreg [dreg:$0x1]  }
0x3: {  	s17 =	simm.s32 $0x6400;
	s22 =	simm.s32 $0x8C00;
	s23 =	simm.s32 $0x9400  }
0x4: {  	s24 =	simm.s32 $0x9C00;
	s28 =	simm.s32 $0xB400;
	s29 =	simm.s32 $0xBC00  }
0x5: {  	s30 =	simm.s32 $0xC400;
	s14 =	simm.s32 $0x12400;
	s16 =	simm.s32 $0x4  }
0x6: {  	s31 =	simm.s32 $0x3;
	s12 =	simm.s32 $0x7;
	s0 =	sand.u32 $0x1, s0  }
0x7: {  	s18 =	simm.s32 $0x6;
	s5 =	sand.u32 $0x7, s3;
	s1 =	sshll.u32 s0, $0x4  }
0x8: {  	s15 =	simm.s32 $0x0;
	p1 =	sne.s32 s5, $0x0;
	s2 =	sor.u32 s3, s1  }
0x9: {  	s8 =	sshll.u32 s5, $0xC;
	s0 =	ssub.s32 $0x2, s0;
	p0 =	seq.s32 s2, $0x0  }
0xa: {  	s5 =	sshll.u32 s5, $0xA;
	s1 =	rddreg [dreg:$0x0];
	p0 =	por !p1, !p0  }
0xb: {  	s3 =	rddreg [dreg:$0x2];
	s26 =	sshrl.u32 s0, $0x1;
	p0 =	por !p0, !p0  }
0xc: {  	s10 =	sadd.s32 $0xFFFFFFC0, s5;
	s2 =	sshrl.u32 s2, $0x3;
	s4 =	simm.s32 @!p0 $0x0  }
0xd: {  	s11 =	sadd.s32 $0xFFFFFFE0, s5;
	s13 =	sadd.s32 $0xFFFFFF80, s5;
	s2 =	ssub.s32 s2, s4  }
0xe: {  	s0 =	ssub.s32 s0, s26;
	s26 =	simm.s32 $0xAC00;
	s4 =	sshll.u32 s2, $0xD  }
0xf: {  	s0 =	smax.u32 s0, $0x1;
	s9 =	sshll.u32 s2, $0x7;
	s7 =	sand.u32 $0xFFFF8000, s4  }
0x10: {  	s4 =	simm.s32 $0x0;
	s25 =	sand.u32 $0x180, s9;
	s9 =	sadd.s32 $0xFFFFFFA0, s5  }
.Ltmp0:
0x11: {  	s5 =	simm.s32 $0x8;
	s7 =	sor.u32 s8, s7;
	(pc) =	sbr.rel .LBB2_1-.Ltmp0, $4  }
0x12: {  	[smem:$0x7FF] =	sst s4;
	s8 =	sadd.s32 $0x200, s1;
	s7 =	sor.u32 s25, s7  }
0x13: {  	v2 =	vlaneseq.u32;
	_ =	strace $0x80000047;
	[dreg:$0x5] =	wrdreg s0;
	s7 =	sshrl.u32 s7, $0x3  }
0x14: {  	vm0 =	vmmov $0xffff;
	v1 =	vshrl.u32 v2, $0x3;
	s25 =	simm.s32 $0xA400;
	s6 =	sadd.s32 s6, s7;
	s7 =	sadd.s32 $0x100, s1  }
0x15: {  	v0 =	vand.u32 $0x7, v2;
	v2 =	vor.u32 $0x8, v2;
	v1 =	vmul.u32 $0x8, v1;
	[dreg:$0x4] =	wrdreg s6;
	s6 =	smul.u32 $0x600000, s2;
	s2 =	simm.s32 $0x2  }
.LBB2_11:
0x16: {  	s15 =	rddreg [dreg:$0x6]  }
0x17: {  	s0 =	rddreg [dreg:$0x5];
	s15 =	sadd.s32 $0x1, s15  }
0x18: {  	p0 =	sne.s32 s15, s0  }
.Ltmp1:
0x19: {  	_ = 	snop;
	(pc) =	sbr.rel @!p0 .LBB2_12-.Ltmp1, $1  }
0x1a: {  	_ =	sdelay $0x3  }
.LBB2_1:
0x1b: {  	[dreg:$0x6] =	wrdreg s15  }
0x1c: {  	s0 =	rddreg [dreg:$0x4];
	s20 =	simm.s32 $0x80  }
.Ltmp2:
0x1d: {  	s19 =	simm.s32 $0x200;
	s21 =	simm.s32 $0x9;
	(pc) =	sbr.rel .LBB2_2-.Ltmp2, $4  }
0x1e: {  	[tilespmem:s4], [sflag:$0x9] =	stream.strided.gather [hbm4b:s0+s20], $0x400, s19, s20, $0x38;
	[tilespmem:$0x18400] =	vst v63  }
0x1f: {  	_ =	swait.ge [sflag:s21], $0x400  }
0x20: {  	[sflag:s21] =	ssyncset.done $0x0  }
0x21: {  	s0 =	simm.s32 $0x0;
	s20 =	simm.s32 $0x0;
	[sflag:s21] =	ssyncadd.s32 $0xFFFFFC00  }
.LBB2_9:
0x22: {  	s15 =	sshra.s32 s15, $0x2  }
0x23: {  	v3 =	vld [tilespmem:s15+$0x60];
	_ =	sdelay $0x4  }
0x24: {  	v4 =	vshrl.u32 v3, $0x3  }
0x25: {  	v4 =	vmul.u32 $0x30, v4  }
0x26: {  	v3 =	vand.u32 $0x7, v3  }
0x27: {  	v3 =	vor.u32 v3, v4  }
0x28: {  	v4 =	vperm.xlane v3, v0;
	_ =	sdelay $0x1  }
0x29: {  	v4 =	vadd.s32 v1, v4;
	_ =	sdelay $0x3  }
0x2a: {  	v3 =	vperm.xlane v3, v2  }
0x2b: {  	[tilespmem:s14], [sflag:$0x4] =	stream.indirect_vreg.gather [hbm4b:s1+s4], $0x80, v4, vm0, $0xb8;
	[tilespmem:$0x18400] =	vst v63  }
0x2c: {  	s19 =	simm.s32 $0x12C00;
	v3 =	vadd.s32 v1, v3  }
0x2d: {  	[tilespmem:s19], [sflag:$0x4] =	stream.indirect_vreg.gather [hbm4b:s7+s4], $0x80, v4, vm0, $0xb8;
	[tilespmem:$0x18400] =	vst v63  }
0x2e: {  	s21 =	simm.s32 $0x13400  }
0x2f: {  	[tilespmem:s21], [sflag:$0x4] =	stream.indirect_vreg.gather [hbm4b:s8+s4], $0x80, v4, vm0, $0xb8;
	[tilespmem:$0x18400] =	vst v63  }
0x30: {  	s21 =	simm.s32 $0x13C00  }
0x31: {  	[tilespmem:s21], [sflag:$0x4] =	stream.indirect_vreg.gather [hbm4b:s1+s4], $0x80, v3, vm0, $0xb8;
	[tilespmem:$0x18400] =	vst v63  }
0x32: {  	s21 =	simm.s32 $0x14400  }
0x33: {  	[tilespmem:s21], [sflag:$0x4] =	stream.indirect_vreg.gather [hbm4b:s7+s4], $0x80, v3, vm0, $0xb8;
	[tilespmem:$0x18400] =	vst v63  }
0x34: {  	s21 =	simm.s32 $0x14C00  }
0x35: {  	[tilespmem:s21], [sflag:$0x4] =	stream.indirect_vreg.gather [hbm4b:s8+s4], $0x80, v3, vm0, $0xb8;
	[tilespmem:$0x18400] =	vst v63  }
0x36: {  	v3 =	vld [tilespmem:s15+$0x70];
	_ =	sdelay $0x4  }
0x37: {  	v63 =	vshrl.u32 v3, $0x3  }
0x38: {  	v4 =	vmul.u32 $0x30, v63  }
0x39: {  	v3 =	vand.u32 $0x7, v3  }
0x3a: {  	v3 =	vor.u32 v3, v4  }
0x3b: {  	v4 =	vperm.xlane v3, v0;
	_ =	sdelay $0x1  }
0x3c: {  	v4 =	vadd.s32 v1, v4;
	_ =	sdelay $0x3  }
0x3d: {  	s19 =	simm.s32 $0x15400;
	v3 =	vperm.xlane v3, v2  }
0x3e: {  	[tilespmem:s19], [sflag:$0x4] =	stream.indirect_vreg.gather [hbm4b:s1+s4], $0x80, v4, vm0, $0xb8;
	[tilespmem:$0x18400] =	vst v63  }
0x3f: {  	s21 =	simm.s32 $0x15C00;
	v3 =	vadd.s32 v1, v3  }
0x40: {  	[tilespmem:s21], [sflag:$0x4] =	stream.indirect_vreg.gather [hbm4b:s7+s4], $0x80, v4, vm0, $0xb8;
	[tilespmem:$0x18400] =	vst v63  }
0x41: {  	s19 =	simm.s32 $0x16400  }
0x42: {  	[tilespmem:s19], [sflag:$0x4] =	stream.indirect_vreg.gather [hbm4b:s8+s4], $0x80, v4, vm0, $0xb8;
	[tilespmem:$0x18400] =	vst v63  }
0x43: {  	s21 =	simm.s32 $0x16C00  }
0x44: {  	[tilespmem:s21], [sflag:$0x4] =	stream.indirect_vreg.gather [hbm4b:s1+s4], $0x80, v3, vm0, $0xb8;
	[tilespmem:$0x18400] =	vst v63  }
0x45: {  	s19 =	simm.s32 $0x17400  }
0x46: {  	[tilespmem:s19], [sflag:$0x4] =	stream.indirect_vreg.gather [hbm4b:s7+s4], $0x80, v3, vm0, $0xb8;
	[tilespmem:$0x18400] =	vst v63  }
0x47: {  	s21 =	simm.s32 $0x17C00  }
0x48: {  	[tilespmem:s21], [sflag:$0x4] =	stream.indirect_vreg.gather [hbm4b:s8+s4], $0x80, v3, vm0, $0xb8;
	[tilespmem:$0x18400] =	vst v63  }
.LBB2_10:
0x49: {  	s20 =	sadd.s32 $0x80, s20  }
0x4a: {  	p0 =	sne.s32 s20, $0x480  }
.Ltmp3:
0x4b: {  	_ = 	snop;
	(pc) =	sbr.rel @!p0 .LBB2_11-.Ltmp3, $2  }
0x4c: {  	_ =	sdelay $0x2  }
0x4d: {  	s0 =	sadd.s32 $0x200, s0  }
.LBB2_2:
0x4e: {  	p0 =	seq.s32 s20, $0x0  }
0x4f: {  	s15 =	sadd.s32 @!p0 s20, s13  }
0x50: {  	s15 =	sshrl.u32 @!p0 s15, $0x3  }
0x51: {  	s15 =	smul.u32 @!p0 $0x1800, s15  }
0x52: {  	s19 =	simm.s32 @!p0 $0x1  }
0x53: {  	_ =	swait.ge @!p0 [sflag:s19], $0x6000;
	s15 =	sadd.s32 @!p0 s6, s15  }
0x54: {  	s21 =	simm.s32 @!p0 $0x400;
	[sflag:s19] =	ssyncset.done @!p0 $0x0;
	s15 =	sshrl.u32 @!p0 s15, $0x3  }
0x55: {  	[sflag:s19] =	ssyncadd.s32 @!p0 $0xFFFFA000;
	s19 =	simm.s32 @!p0 $0x0;
	s15 =	sadd.s32 @!p0 s3, s15  }
0x56: {  	[hbm4b:s15+s19] =	stream.linear.scatter @!p0 [tilespmem:s21], [sflag:$0x5], $0x6000, $0x38;
	[tilespmem:$0x18400] =	vst v63  }
0x57: {  	s15 =	simm.s32 @!p0 $0x5  }
0x58: {  	p1 =	seq.s32 @!p0 s20, $0x400;
	_ =	swait.ge @!p0 [sflag:s15], $0x6000  }
0x59: {  	p1 =	por p0, !p1;
	[sflag:s15] =	ssyncset.done @!p0 $0x0  }
0x5a: {  	s19 =	sshra.s32 @p1 s0, $0x2;
	[sflag:s15] =	ssyncadd.s32 @!p0 $0xFFFFA000  }
0x5b: {  	v3 =	vld @p1 [tilespmem:s19+$0x0];
	_ =	sdelay $0x4  }
0x5c: {  	v4 =	vshrl.u32 @p1 v3, $0x3  }
0x5d: {  	v4 =	vmul.u32 @p1 $0x30, v4  }
0x5e: {  	v5 =	vlaneseq.u32 @p1;
	v3 =	vand.u32 @p1 $0x7, v3  }
0x5f: {  	v6 =	vshrl.u32 @p1 v5, $0x3;
	v3 =	vor.u32 @p1 v3, v4;
	v4 =	vand.u32 @p1 $0x7, v5  }
0x60: {  	v6 =	vmul.u32 @p1 $0x8, v6;
	v7 =	vperm.xlane @p1 v3, v4;
	_ =	sdelay $0x1  }
0x61: {  	v7 =	vadd.s32 @p1 v6, v7;
	_ =	sdelay $0x2  }
0x62: {  	v5 =	vor.u32 @p1 $0x8, v5  }
0x63: {  	vm1 =	vmmov @p1 $0xffff;
	s21 =	simm.s32 @p1 $0x400;
	s15 =	simm.s32 @p1 $0x0;
	v3 =	vperm.xlane @p1 v3, v5  }
0x64: {  	[tilespmem:s21], [sflag:$0x1] =	stream.indirect_vreg.gather @p1 [hbm4b:s1+s15], $0x80, v7, vm1, $0xb8;
	[tilespmem:$0x18400] =	vst v63  }
0x65: {  	v3 =	vadd.s32 @p1 v6, v3;
	s21 =	simm.s32 @p1 $0xC00  }
0x66: {  	[tilespmem:s21], [sflag:$0x1] =	stream.indirect_vreg.gather @p1 [hbm4b:s7+s15], $0x80, v7, vm1, $0xb8;
	[tilespmem:$0x18400] =	vst v63  }
0x67: {  	s21 =	simm.s32 @p1 $0x1400  }
0x68: {  	[tilespmem:s21], [sflag:$0x1] =	stream.indirect_vreg.gather @p1 [hbm4b:s8+s15], $0x80, v7, vm1, $0xb8;
	[tilespmem:$0x18400] =	vst v63  }
0x69: {  	s21 =	simm.s32 @p1 $0x1C00  }
0x6a: {  	[tilespmem:s21], [sflag:$0x1] =	stream.indirect_vreg.gather @p1 [hbm4b:s1+s15], $0x80, v3, vm1, $0xb8;
	[tilespmem:$0x18400] =	vst v63  }
0x6b: {  	s21 =	simm.s32 @p1 $0x2400  }
0x6c: {  	[tilespmem:s21], [sflag:$0x1] =	stream.indirect_vreg.gather @p1 [hbm4b:s7+s15], $0x80, v3, vm1, $0xb8;
	[tilespmem:$0x18400] =	vst v63  }
0x6d: {  	s21 =	simm.s32 @p1 $0x2C00  }
0x6e: {  	[tilespmem:s21], [sflag:$0x1] =	stream.indirect_vreg.gather @p1 [hbm4b:s8+s15], $0x80, v3, vm1, $0xb8;
	[tilespmem:$0x18400] =	vst v63  }
0x6f: {  	v3 =	vld @p1 [tilespmem:s19+$0x10];
	_ =	sdelay $0x4  }
0x70: {  	v7 =	vshrl.u32 @p1 v3, $0x3  }
0x71: {  	v7 =	vmul.u32 @p1 $0x30, v7  }
0x72: {  	v3 =	vand.u32 @p1 $0x7, v3  }
0x73: {  	v3 =	vor.u32 @p1 v3, v7  }
0x74: {  	v4 =	vperm.xlane @p1 v3, v4;
	_ =	sdelay $0x1  }
0x75: {  	v4 =	vadd.s32 @p1 v6, v4;
	_ =	sdelay $0x3  }
0x76: {  	s19 =	simm.s32 @p1 $0x3400;
	v3 =	vperm.xlane @p1 v3, v5  }
0x77: {  	[tilespmem:s19], [sflag:$0x1] =	stream.indirect_vreg.gather @p1 [hbm4b:s1+s15], $0x80, v4, vm1, $0xb8;
	[tilespmem:$0x18400] =	vst v63  }
0x78: {  	v3 =	vadd.s32 @p1 v6, v3;
	s19 =	simm.s32 @p1 $0x3C00  }
0x79: {  	[tilespmem:s19], [sflag:$0x1] =	stream.indirect_vreg.gather @p1 [hbm4b:s7+s15], $0x80, v4, vm1, $0xb8;
	[tilespmem:$0x18400] =	vst v63  }
0x7a: {  	p2 =	seq.s32 @p1 s20, $0x0;
	s19 =	simm.s32 @p1 $0x4400  }
0x7b: {  	[tilespmem:s19], [sflag:$0x1] =	stream.indirect_vreg.gather @p1 [hbm4b:s8+s15], $0x80, v4, vm1, $0xb8;
	[tilespmem:$0x18400] =	vst v63  }
0x7c: {  	p2 =	por !p1, !p2;
	s19 =	simm.s32 @p1 $0x4C00  }
0x7d: {  	[tilespmem:s19], [sflag:$0x1] =	stream.indirect_vreg.gather @p1 [hbm4b:s1+s15], $0x80, v3, vm1, $0xb8;
	[tilespmem:$0x18400] =	vst v63  }
.Ltmp4:
0x7e: {  	_ = 	snop;
	(pc) =	sbr.rel @!p2 .LBB2_5-.Ltmp4, $4  }
0x7f: {  	s19 =	simm.s32 @p1 $0x5400  }
0x80: {  	[tilespmem:s19], [sflag:$0x1] =	stream.indirect_vreg.gather @p1 [hbm4b:s7+s15], $0x80, v3, vm1, $0xb8;
	[tilespmem:$0x18400] =	vst v63  }
0x81: {  	s19 =	simm.s32 @p1 $0x5C00  }
0x82: {  	[tilespmem:s19], [sflag:$0x1] =	stream.indirect_vreg.gather @p1 [hbm4b:s8+s15], $0x80, v3, vm1, $0xb8;
	[tilespmem:$0x18400] =	vst v63  }
0x83: {  	s19 =	smov.u32 s20  }
0x84: {  	s19 =	simm.s32 @!p1 $0x400  }
0x85: {  	s15 =	sadd.s32 s19, s9  }
0x86: {  	s15 =	sshrl.u32 s15, $0x3  }
0x87: {  	s15 =	smul.u32 $0x1800, s15  }
0x88: {  	_ =	swait.ge [sflag:s2], $0x6000  }
0x89: {  	p2 =	por @!p0 $0x1, $0x1;
	p3 =	por @p1 $0x0, $0x0;
	s15 =	sadd.s32 s6, s15  }
0x8a: {  	[sflag:s2] =	ssyncset.done $0x0;
	p3 =	por @!p1 p2, p2;
	s15 =	sshrl.u32 s15, $0x3  }
.Ltmp5:
0x8b: {  	[sflag:s2] =	ssyncadd.s32 $0xFFFFA000;
	s15 =	sadd.s32 s3, s15;
	(pc) =	sbr.rel @!p3 .LBB2_5-.Ltmp5, $4  }
0x8c: {  	[hbm4b:s15+s4] =	stream.linear.scatter [tilespmem:s17], [sflag:$0x6], $0x6000, $0x38;
	[tilespmem:$0x18400] =	vst v63  }
0x8d: {  	_ =	swait.ge [sflag:s18], $0x6000  }
0x8e: {  	[sflag:s18] =	ssyncset.done $0x0  }
0x8f: {  	s15 =	smov.u32 s0;
	[sflag:s18] =	ssyncadd.s32 $0xFFFFA000  }
.Ltmp6:
0x90: {  	(pc) =	sbr.rel .LBB2_6-.Ltmp6, $2  }
0x91: {  	_ =	sdelay $0x2  }
0x92: {  	p2 =	por $0x1, $0x1  }
.LBB2_5:
0x93: {  	s19 =	sshra.s32 s15, $0x2  }
0x94: {  	v3 =	vld [tilespmem:s19+$0x20];
	_ =	sdelay $0x4  }
0x95: {  	v4 =	vshrl.u32 v3, $0x3  }
0x96: {  	v4 =	vmul.u32 $0x30, v4  }
0x97: {  	v3 =	vand.u32 $0x7, v3  }
0x98: {  	v3 =	vor.u32 v3, v4  }
0x99: {  	v4 =	vperm.xlane v3, v0;
	_ =	sdelay $0x1  }
0x9a: {  	v4 =	vadd.s32 v1, v4;
	_ =	sdelay $0x3  }
0x9b: {  	v3 =	vperm.xlane v3, v2  }
0x9c: {  	[tilespmem:s17], [sflag:$0x2] =	stream.indirect_vreg.gather [hbm4b:s1+s4], $0x80, v4, vm0, $0xb8;
	[tilespmem:$0x18400] =	vst v63  }
0x9d: {  	s21 =	simm.s32 $0x6C00;
	v3 =	vadd.s32 v1, v3  }
0x9e: {  	[tilespmem:s21], [sflag:$0x2] =	stream.indirect_vreg.gather [hbm4b:s7+s4], $0x80, v4, vm0, $0xb8;
	[tilespmem:$0x18400] =	vst v63  }
0x9f: {  	s21 =	simm.s32 $0x7400  }
0xa0: {  	[tilespmem:s21], [sflag:$0x2] =	stream.indirect_vreg.gather [hbm4b:s8+s4], $0x80, v4, vm0, $0xb8;
	[tilespmem:$0x18400] =	vst v63  }
0xa1: {  	s21 =	simm.s32 $0x7C00  }
0xa2: {  	[tilespmem:s21], [sflag:$0x2] =	stream.indirect_vreg.gather [hbm4b:s1+s4], $0x80, v3, vm0, $0xb8;
	[tilespmem:$0x18400] =	vst v63  }
0xa3: {  	s21 =	simm.s32 $0x8400  }
0xa4: {  	[tilespmem:s21], [sflag:$0x2] =	stream.indirect_vreg.gather [hbm4b:s7+s4], $0x80, v3, vm0, $0xb8;
	[tilespmem:$0x18400] =	vst v63  }
0xa5: {  	_ = 	snop  }
0xa6: {  	[tilespmem:s22], [sflag:$0x2] =	stream.indirect_vreg.gather [hbm4b:s8+s4], $0x80, v3, vm0, $0xb8;
	[tilespmem:$0x18400] =	vst v63  }
0xa7: {  	v3 =	vld [tilespmem:s19+$0x30];
	_ =	sdelay $0x4  }
0xa8: {  	v63 =	vshrl.u32 v3, $0x3  }
0xa9: {  	v4 =	vmul.u32 $0x30, v63  }
0xaa: {  	v3 =	vand.u32 $0x7, v3  }
0xab: {  	v3 =	vor.u32 v3, v4  }
0xac: {  	v4 =	vperm.xlane v3, v0;
	_ =	sdelay $0x1  }
0xad: {  	v4 =	vadd.s32 v1, v4;
	_ =	sdelay $0x3  }
0xae: {  	v3 =	vperm.xlane v3, v2  }
0xaf: {  	[tilespmem:s23], [sflag:$0x2] =	stream.indirect_vreg.gather [hbm4b:s1+s4], $0x80, v4, vm0, $0xb8;
	[tilespmem:$0x18400] =	vst v63  }
0xb0: {  	v3 =	vadd.s32 v1, v3  }
0xb1: {  	[tilespmem:s24], [sflag:$0x2] =	stream.indirect_vreg.gather [hbm4b:s7+s4], $0x80, v4, vm0, $0xb8;
	[tilespmem:$0x18400] =	vst v63  }
0xb2: {  	_ = 	snop  }
0xb3: {  	[tilespmem:s25], [sflag:$0x2] =	stream.indirect_vreg.gather [hbm4b:s8+s4], $0x80, v4, vm0, $0xb8;
	[tilespmem:$0x18400] =	vst v63  }
0xb4: {  	_ = 	snop  }
0xb5: {  	[tilespmem:s26], [sflag:$0x2] =	stream.indirect_vreg.gather [hbm4b:s1+s4], $0x80, v3, vm0, $0xb8;
	[tilespmem:$0x18400] =	vst v63  }
.Ltmp7:
0xb6: {  	_ = 	snop;
	(pc) =	sbr.rel @p0 .LBB2_7-.Ltmp7, $4  }
0xb7: {  	_ = 	snop  }
0xb8: {  	[tilespmem:s28], [sflag:$0x2] =	stream.indirect_vreg.gather [hbm4b:s7+s4], $0x80, v3, vm0, $0xb8;
	[tilespmem:$0x18400] =	vst v63  }
0xb9: {  	p2 =	por $0x0, $0x0;
	s19 =	smov.u32 s20  }
0xba: {  	[tilespmem:s29], [sflag:$0x2] =	stream.indirect_vreg.gather [hbm4b:s8+s4], $0x80, v3, vm0, $0xb8;
	[tilespmem:$0x18400] =	vst v63  }
.LBB2_6:
0xbb: {  	s15 =	sadd.s32 s19, s10  }
0xbc: {  	s15 =	sshrl.u32 s15, $0x3  }
0xbd: {  	s15 =	smul.u32 $0x1800, s15;
	_ =	sdelay $0x1  }
0xbe: {  	_ =	swait.ge [sflag:s31], $0x6000;
	s15 =	sadd.s32 s6, s15  }
0xbf: {  	[sflag:s31] =	ssyncset.done $0x0;
	s15 =	sshrl.u32 s15, $0x3  }
.Ltmp8:
0xc0: {  	[sflag:s31] =	ssyncadd.s32 $0xFFFFA000;
	s15 =	sadd.s32 s3, s15;
	(pc) =	sbr.rel @p2 .LBB2_8-.Ltmp8, $4  }
0xc1: {  	[hbm4b:s15+s4] =	stream.linear.scatter [tilespmem:s30], [sflag:$0x7], $0x6000, $0x38;
	[tilespmem:$0x18400] =	vst v63  }
0xc2: {  	_ =	swait.ge [sflag:s12], $0x6000  }
0xc3: {  	[sflag:s12] =	ssyncset.done $0x0  }
0xc4: {  	p1 =	por $0x1, $0x1;
	s15 =	smov.u32 s0;
	[sflag:s12] =	ssyncadd.s32 $0xFFFFA000  }
.LBB2_7:
0xc5: {  	s19 =	sshra.s32 s15, $0x2  }
0xc6: {  	v3 =	vld [tilespmem:s19+$0x40];
	_ =	sdelay $0x4  }
0xc7: {  	v4 =	vshrl.u32 v3, $0x3  }
0xc8: {  	v4 =	vmul.u32 $0x30, v4  }
0xc9: {  	v3 =	vand.u32 $0x7, v3  }
0xca: {  	v3 =	vor.u32 v3, v4  }
0xcb: {  	v4 =	vperm.xlane v3, v0;
	_ =	sdelay $0x1  }
0xcc: {  	v4 =	vadd.s32 v1, v4;
	_ =	sdelay $0x3  }
0xcd: {  	v3 =	vperm.xlane v3, v2  }
0xce: {  	[tilespmem:s30], [sflag:$0x3] =	stream.indirect_vreg.gather [hbm4b:s1+s4], $0x80, v4, vm0, $0xb8;
	[tilespmem:$0x18400] =	vst v63  }
0xcf: {  	s21 =	simm.s32 $0xCC00;
	v3 =	vadd.s32 v1, v3  }
0xd0: {  	[tilespmem:s21], [sflag:$0x3] =	stream.indirect_vreg.gather [hbm4b:s7+s4], $0x80, v4, vm0, $0xb8;
	[tilespmem:$0x18400] =	vst v63  }
0xd1: {  	s21 =	simm.s32 $0xD400  }
0xd2: {  	[tilespmem:s21], [sflag:$0x3] =	stream.indirect_vreg.gather [hbm4b:s8+s4], $0x80, v4, vm0, $0xb8;
	[tilespmem:$0x18400] =	vst v63  }
0xd3: {  	s21 =	simm.s32 $0xDC00  }
0xd4: {  	[tilespmem:s21], [sflag:$0x3] =	stream.indirect_vreg.gather [hbm4b:s1+s4], $0x80, v3, vm0, $0xb8;
	[tilespmem:$0x18400] =	vst v63  }
0xd5: {  	s21 =	simm.s32 $0xE400  }
0xd6: {  	[tilespmem:s21], [sflag:$0x3] =	stream.indirect_vreg.gather [hbm4b:s7+s4], $0x80, v3, vm0, $0xb8;
	[tilespmem:$0x18400] =	vst v63  }
0xd7: {  	s21 =	simm.s32 $0xEC00  }
0xd8: {  	[tilespmem:s21], [sflag:$0x3] =	stream.indirect_vreg.gather [hbm4b:s8+s4], $0x80, v3, vm0, $0xb8;
	[tilespmem:$0x18400] =	vst v63  }
0xd9: {  	v3 =	vld [tilespmem:s19+$0x50];
	_ =	sdelay $0x4  }
0xda: {  	v63 =	vshrl.u32 v3, $0x3  }
0xdb: {  	v4 =	vmul.u32 $0x30, v63  }
0xdc: {  	v3 =	vand.u32 $0x7, v3  }
0xdd: {  	v3 =	vor.u32 v3, v4  }
0xde: {  	v4 =	vperm.xlane v3, v0;
	_ =	sdelay $0x1  }
0xdf: {  	v4 =	vadd.s32 v1, v4;
	_ =	sdelay $0x3  }
0xe0: {  	s21 =	simm.s32 $0xF400;
	v3 =	vperm.xlane v3, v2  }
0xe1: {  	[tilespmem:s21], [sflag:$0x3] =	stream.indirect_vreg.gather [hbm4b:s1+s4], $0x80, v4, vm0, $0xb8;
	[tilespmem:$0x18400] =	vst v63  }
0xe2: {  	v3 =	vadd.s32 v1, v3;
	s21 =	simm.s32 $0xFC00  }
0xe3: {  	[tilespmem:s21], [sflag:$0x3] =	stream.indirect_vreg.gather [hbm4b:s7+s4], $0x80, v4, vm0, $0xb8;
	[tilespmem:$0x18400] =	vst v63  }
0xe4: {  	s21 =	simm.s32 $0x10400  }
0xe5: {  	[tilespmem:s21], [sflag:$0x3] =	stream.indirect_vreg.gather [hbm4b:s8+s4], $0x80, v4, vm0, $0xb8;
	[tilespmem:$0x18400] =	vst v63  }
0xe6: {  	s21 =	simm.s32 $0x10C00  }
0xe7: {  	[tilespmem:s21], [sflag:$0x3] =	stream.indirect_vreg.gather [hbm4b:s1+s4], $0x80, v3, vm0, $0xb8;
	[tilespmem:$0x18400] =	vst v63  }
.Ltmp9:
0xe8: {  	_ = 	snop;
	(pc) =	sbr.rel @p0 .LBB2_9-.Ltmp9, $4  }
0xe9: {  	s21 =	simm.s32 $0x11400  }
0xea: {  	[tilespmem:s21], [sflag:$0x3] =	stream.indirect_vreg.gather [hbm4b:s7+s4], $0x80, v3, vm0, $0xb8;
	[tilespmem:$0x18400] =	vst v63  }
0xeb: {  	p1 =	por $0x0, $0x0;
	s19 =	smov.u32 s20;
	s21 =	simm.s32 $0x11C00  }
0xec: {  	[tilespmem:s21], [sflag:$0x3] =	stream.indirect_vreg.gather [hbm4b:s8+s4], $0x80, v3, vm0, $0xb8;
	[tilespmem:$0x18400] =	vst v63  }
.LBB2_8:
0xed: {  	s15 =	sadd.s32 s19, s11  }
0xee: {  	s15 =	sshrl.u32 s15, $0x3  }
0xef: {  	s15 =	smul.u32 $0x1800, s15;
	_ =	sdelay $0x1  }
0xf0: {  	_ =	swait.ge [sflag:s16], $0x6000;
	s15 =	sadd.s32 s6, s15  }
0xf1: {  	[sflag:s16] =	ssyncset.done $0x0;
	s15 =	sshrl.u32 s15, $0x3  }
0xf2: {  	[sflag:s16] =	ssyncadd.s32 $0xFFFFA000;
	s15 =	sadd.s32 s3, s15  }
0xf3: {  	[hbm4b:s15+s4] =	stream.linear.scatter [tilespmem:s14], [sflag:$0x8], $0x6000, $0x38;
	[tilespmem:$0x18400] =	vst v63  }
.Ltmp10:
0xf4: {  	_ = 	snop;
	(pc) =	sbr.rel @p1 .LBB2_10-.Ltmp10, $4  }
.Ltmp11:
0xf5: {  	_ = 	snop;
	(pc) =	sbr.rel @!p1 .LBB2_9-.Ltmp11, $4  }
0xf6: {  	_ =	swait.ge [sflag:s5], $0x6000  }
0xf7: {  	[sflag:s5] =	ssyncset.done $0x0  }
0xf8: {  	s15 =	smov.u32 s0;
	[sflag:s5] =	ssyncadd.s32 $0xFFFFA000  }
0xf9: {  	_ = 	snop  }
.LBB2_12:
0xfa: {  	_ =	sfence.sel $0x180000  }
0xfb: {  	[bflag:$0x0] =	sbarrier.arrive $0xFFFF  }
0xfc: {  	_ =	strace $0x90000047  }
0xfd: {  	s0 =	stileid.u32;
	[bflag:$0x2] =	sbarrier.arrive $0xFFFF  }
0xfe: {  	p0 =	sne.s32 s0, $0x0;
	s0 =	rddreg [dreg:$0x3]  }
0xff: {  	s0 =	sadd.s32 @!p0 $0x100000, s0  }
0x100: {  	[sflag:s0] =	ssyncadd.tile.s32 @!p0 $0x1;
	_ =	shalt  }
.Lfunc_end2:
_tile_overlayer_lowered:
.L_overlay_start_2:
0x101: {  	(tag) =	ssettag $0x2  }
0x102: {  	s0 =	rddreg [dreg:$0x0];
	s2 =	stileid.u32  }
0x103: {  	s1 =	rddreg [dreg:$0x1];
	p0 =	sne.s32 s2, $0x0  }
0x104: {  	s3 =	rddreg [dreg:$0x2];
	[bflag:$0x3] =	sbarrier.arrive $0xFFFF;
	s2 =	simm.s32 @!p0 $0x1C09  }
0x105: {  	[timem:s3], [sflag:s2] =	dma.local @!p0 [hbm:s0], s1  }
0x106: {  	s0 =	simm.s32 @!p0 $0x9  }
0x107: {  	_ =	swait.ge @!p0 [sflag:s0], s1  }
0x108: {  	s1 =	ssub.s32 @!p0 $0x0, s1;
	[sflag:s0] =	ssyncset.done @!p0 $0x0  }
0x109: {  	[sflag:s0] =	ssyncadd.s32 @!p0 s1  }
0x10a: {  	[bflag:$0x3] =	sbarrier.arrive $0xFFFF  }
0x10b: {  	_ =	shalt  }

</sc_bundles>
